<compile_context>
chip_gen: v7x
topology: tpu7x:2x2x1
jax: 0.10.2.dev20260603
libtpu: 0.0.44.dev20260713+nightly
codegen_flags: <defaults>
</compile_context>

<pallas_src>
import functools

import jax
import jax.numpy as jnp
from jax import lax
from jax.experimental import pallas as pl
from jax.experimental import pallas
from jax.experimental.pallas import tpu as pltpu
from jax.experimental.pallas import tpu_sc as plsc

B = 2048
N = 1024
C = 256
NUM_CORES = 2
NUM_SUBCORES = 16
NW = NUM_CORES * NUM_SUBCORES
ROWS_PER_W = B // NW
RB = 16
NCHUNK = ROWS_PER_W // RB
L = 16


def _sc_body(x_hbm, cp_hbm, o_hbm, xv, cpv, ov, sem_x, sem_cp, sem_o):
    wid = lax.axis_index("s") * NUM_CORES + lax.axis_index("c")
    row0 = wid * ROWS_PER_W

    @pl.loop(0, NCHUNK)
    def _chunk(ci):
        base = row0 + ci * RB
        cx = pltpu.async_copy(x_hbm.at[pl.ds(base, RB)], xv, sem_x)
        cc = pltpu.async_copy(cp_hbm.at[pl.ds(base, RB)], cpv, sem_cp)
        cx.wait()
        cc.wait()

        @pl.loop(0, RB)
        def _row(r):
            rvec = jnp.full((L,), r, dtype=jnp.int32)

            @pl.loop(0, N, step=L)
            def _grp(c0):
                xs = xv[r, pl.ds(c0, L)] * 254.0
                iv = jnp.clip(xs.astype(jnp.int32), 0, 254)
                u = xs - iv.astype(jnp.float32)
                u2 = u * u
                u3 = u2 * u
                om = 1.0 - u
                w0 = om * om * om * (1.0 / 6.0)
                w1 = (4.0 - 6.0 * u2 + 3.0 * u3) * (1.0 / 6.0)
                w2 = (1.0 + 3.0 * u + 3.0 * u2 - 3.0 * u3) * (1.0 / 6.0)
                w3 = u3 * (1.0 / 6.0)
                g0 = plsc.load_gather(cpv, [rvec, iv])
                g1 = plsc.load_gather(cpv, [rvec, iv + 1])
                g2 = plsc.load_gather(cpv, [rvec, jnp.minimum(iv + 2, 255)])
                g3 = plsc.load_gather(cpv, [rvec, jnp.minimum(iv + 3, 255)])
                ov[r, pl.ds(c0, L)] = w0 * g0 + w1 * g1 + w2 * g2 + w3 * g3

        pltpu.async_copy(ov, o_hbm.at[pl.ds(base, RB)], sem_o).wait()


@jax.jit
def _bspline_sc(x, cp):
    mesh = plsc.VectorSubcoreMesh(core_axis_name="c", subcore_axis_name="s")
    kern = functools.partial(
        pl.kernel,
        mesh=mesh,
        out_type=jax.ShapeDtypeStruct((B, N), jnp.float32),
        scratch_types=[
            pltpu.VMEM((RB, N), jnp.float32),
            pltpu.VMEM((RB, C), jnp.float32),
            pltpu.VMEM((RB, N), jnp.float32),
            pltpu.SemaphoreType.DMA,
            pltpu.SemaphoreType.DMA,
            pltpu.SemaphoreType.DMA,
        ],
        compiler_params=pltpu.CompilerParams(needs_layout_passes=False),
    )(_sc_body)
    return kern(x, cp)


def kernel(x, cp):
    return _bspline_sc(x, cp)

# --- scband reference (transcript-rebuilt; emitter-appended) ---
"""Pipeline reference for scband-batched-bsplines-43748536877071 (READ-ONLY COPY).

The authoritative reference and input builder live on the scoring server;
editing this copy changes nothing except your own understanding.
"""

import jax, jax.numpy as jnp
import numpy as np

K = 3
INDIM = 256
M = INDIM - 1
T = jnp.arange(-K, M + K, dtype=jnp.float32) / (M - 1)


def setup_inputs(seed: int = 0) -> dict:
    key = jax.random.key(seed)
    k1, k2 = jax.random.split(key)
    x = jax.random.uniform(k1, (2048, 1024), dtype=jnp.float32)
    cp = jax.random.normal(k2, (2048, INDIM), dtype=jnp.float32)
    return {"x": x, "cp": cp}


def reference(x, cp):
    k = K
    t = T
    B, nEval = x.shape
    # pad control points: repeat last cp (k-1) times
    paddedCp = jnp.concatenate([cp, jnp.repeat(cp[..., -1:], k - 1, axis=-1)], axis=-1)
    xc = jnp.clip(x, 0.0, 1.0)
    # index of knot interval containing each x
    leftRange = jnp.argmax((t[None, None, :] > xc[..., None]).astype(jnp.float32), axis=-1) - 1
    slicesIndices = leftRange[..., None] + jnp.arange(-k, 1, dtype=leftRange.dtype)[None, None, :]
    # gather the (k+1) relevant control points per eval point
    src = jnp.broadcast_to(paddedCp[:, None, :], (B, nEval, paddedCp.shape[-1]))
    d = jnp.take_along_axis(src, slicesIndices, axis=-1)
    # de Boor recursion
    for r in range(1, k + 1):
        for j in range(k, r - 1, -1):
            num = x - t[j + leftRange - k]
            den = t[j + 1 + leftRange - r] - t[j + leftRange - k]
            alphas = num / den
            d = d.at[..., j].set((1.0 - alphas) * d[..., j - 1] + alphas * d[..., j])
    return d[..., k]

if __name__ == "__main__":
    import jax
    _d = setup_inputs()
    print(jax.jit(kernel)(*tuple(_d.values())))

</pallas_src>

<mosaic_0001>
#map = affine_map<(d0, d1) -> (0, 0)>
module attributes {stable_mosaic.version = 14 : i64} {
  func.func @_sc_body(%arg0: i32, %arg1: i32, %arg2: memref<2048x1024xf32, #tpu.memory_space<hbm>>, %arg3: memref<2048x256xf32, #tpu.memory_space<hbm>>, %arg4: memref<2048x1024xf32, #tpu.memory_space<hbm>>, %arg5: memref<16x1024xf32, #tpu.memory_space<vmem>>, %arg6: memref<16x256xf32, #tpu.memory_space<vmem>>, %arg7: memref<16x1024xf32, #tpu.memory_space<vmem>>, %arg8: memref<!tpu.dma_semaphore, #tpu.memory_space<semaphore_mem>>, %arg9: memref<!tpu.dma_semaphore, #tpu.memory_space<semaphore_mem>>, %arg10: memref<!tpu.dma_semaphore, #tpu.memory_space<semaphore_mem>>) attributes {dimension_semantics = [#tpu.dimension_semantics<core_parallel>, #tpu.dimension_semantics<subcore_parallel>], iteration_bounds = array<i64: 2, 16>, scalar_prefetch = 0 : i64, scratch_operands = 6 : i64, tpu.core_type = #tpu.core_type<sc_vector_subcore>, window_params = [{transform_indices = #map}, {transform_indices = #map}, {transform_indices = #map}]} {
    %mul3A = arith.constant 2 : i32
    %mul3A_0 = arith.muli %arg1, %mul3A : i32
    %add3A = arith.addi %mul3A_0, %arg0 : i32
    %mul3A_1 = arith.constant 64 : i32
    %mul3A_2 = arith.muli %add3A, %mul3A_1 : i32
    %scan3A = arith.constant 0 : i32
    %scan3A_3 = arith.constant 4 : i32
    %scan3A_4 = arith.addi %scan3A, %scan3A_3 : i32
    %scan3A_5 = arith.constant 1 : i32
    scf.for %scan3A_7 = %scan3A to %scan3A_4 step %scan3A_5  : i32 {
      %mul3A_8 = arith.constant 1 : i32
      %mul3A_9 = arith.muli %scan3A_7, %mul3A_8 : i32
      %add3A_10 = arith.constant 0 : i32
      %add3A_11 = arith.addi %add3A_10, %mul3A_9 : i32
      %mul3A_12 = arith.constant 16 : i32
      %mul3A_13 = arith.muli %add3A_11, %mul3A_12 : i32
      %add3A_14 = arith.addi %mul3A_2, %mul3A_13 : i32
      %dma_start3A = arith.constant 0 : i32
      %dma_start3A_15 = tpu.memref_slice %arg2[%add3A_14, %dma_start3A] : memref<2048x1024xf32, #tpu.memory_space<hbm>> -> memref<16x1024xf32, #tpu.memory_space<hbm>>
      %dma_start3A_16 = arith.constant 0 : i32
      %dma_start3A_17 = tpu.memref_slice %arg2[%add3A_14, %dma_start3A_16] : memref<2048x1024xf32, #tpu.memory_space<hbm>> -> memref<16x1024xf32, #tpu.memory_space<hbm>>
      tpu.enqueue_dma source(%dma_start3A_17 : memref<16x1024xf32, #tpu.memory_space<hbm>>) target(%arg5 : memref<16x1024xf32, #tpu.memory_space<vmem>>) target_semaphore(%arg8 : memref<!tpu.dma_semaphore, #tpu.memory_space<semaphore_mem>>)
      %dma_start3A_18 = arith.constant 0 : i32
      %dma_start3A_19 = tpu.memref_slice %arg3[%add3A_14, %dma_start3A_18] : memref<2048x256xf32, #tpu.memory_space<hbm>> -> memref<16x256xf32, #tpu.memory_space<hbm>>
      %dma_start3A_20 = arith.constant 0 : i32
      %dma_start3A_21 = tpu.memref_slice %arg3[%add3A_14, %dma_start3A_20] : memref<2048x256xf32, #tpu.memory_space<hbm>> -> memref<16x256xf32, #tpu.memory_space<hbm>>
      tpu.enqueue_dma source(%dma_start3A_21 : memref<16x256xf32, #tpu.memory_space<hbm>>) target(%arg6 : memref<16x256xf32, #tpu.memory_space<vmem>>) target_semaphore(%arg9 : memref<!tpu.dma_semaphore, #tpu.memory_space<semaphore_mem>>)
      %dma_wait3A = arith.constant 0 : i32
      %dma_wait3A_22 = tpu.memref_slice %arg2[%add3A_14, %dma_wait3A] : memref<2048x1024xf32, #tpu.memory_space<hbm>> -> memref<16x1024xf32, #tpu.memory_space<hbm>>
      %dma_wait3A_23 = arith.constant 0 : i32
      %dma_wait3A_24 = tpu.memref_slice %arg2[%add3A_14, %dma_wait3A_23] : memref<2048x1024xf32, #tpu.memory_space<hbm>> -> memref<16x1024xf32, #tpu.memory_space<hbm>>
      tpu.wait_dma2 semaphore(%arg8 : memref<!tpu.dma_semaphore, #tpu.memory_space<semaphore_mem>>) src(%dma_wait3A_24 : memref<16x1024xf32, #tpu.memory_space<hbm>>) dst(%arg5 : memref<16x1024xf32, #tpu.memory_space<vmem>>)
      %dma_wait3A_25 = arith.constant 0 : i32
      %dma_wait3A_26 = tpu.memref_slice %arg3[%add3A_14, %dma_wait3A_25] : memref<2048x256xf32, #tpu.memory_space<hbm>> -> memref<16x256xf32, #tpu.memory_space<hbm>>
      %dma_wait3A_27 = arith.constant 0 : i32
      %dma_wait3A_28 = tpu.memref_slice %arg3[%add3A_14, %dma_wait3A_27] : memref<2048x256xf32, #tpu.memory_space<hbm>> -> memref<16x256xf32, #tpu.memory_space<hbm>>
      tpu.wait_dma2 semaphore(%arg9 : memref<!tpu.dma_semaphore, #tpu.memory_space<semaphore_mem>>) src(%dma_wait3A_28 : memref<16x256xf32, #tpu.memory_space<hbm>>) dst(%arg6 : memref<16x256xf32, #tpu.memory_space<vmem>>)
      %scan3A_29 = arith.constant 0 : i32
      %scan3A_30 = arith.constant 16 : i32
      %scan3A_31 = arith.addi %scan3A_29, %scan3A_30 : i32
      %scan3A_32 = arith.constant 1 : i32
      scf.for %scan3A_42 = %scan3A_29 to %scan3A_31 step %scan3A_32  : i32 {
        %mul3A_43 = arith.constant 1 : i32
        %mul3A_44 = arith.muli %scan3A_42, %mul3A_43 : i32
        %add3A_45 = arith.constant 0 : i32
        %add3A_46 = arith.addi %add3A_45, %mul3A_44 : i32
        %broadcast_in_dim3A = vector.broadcast %add3A_46 : i32 to vector<16xi32>
        %scan3A_47 = arith.constant 0 : i32
        %scan3A_48 = arith.constant 64 : i32
        %scan3A_49 = arith.addi %scan3A_47, %scan3A_48 : i32
        %scan3A_50 = arith.constant 1 : i32
        scf.for %scan3A_52 = %scan3A_47 to %scan3A_49 step %scan3A_50  : i32 {
          %mul3A_53 = arith.constant 16 : i32
          %mul3A_54 = arith.muli %scan3A_52, %mul3A_53 : i32
          %add3A_55 = arith.constant 0 : i32
          %add3A_56 = arith.addi %add3A_55, %mul3A_54 : i32
          %get3A = arith.index_cast %add3A_46 : i32 to index
          %get3A_57 = arith.index_cast %add3A_56 : i32 to index
          %get3A_58 = tpu.vector_load %arg5[%get3A, %get3A_57] {strides = array<i32>} : memref<16x1024xf32, #tpu.memory_space<vmem>>, vector<16xf32>,
          %mul3A_59 = arith.constant 2.540000e+02 : f32
          %mul3A_60 = vector.broadcast %mul3A_59 : f32 to vector<16xf32>
          %mul3A_61 = arith.mulf %get3A_58, %mul3A_60 : vector<16xf32>
          %convert_element_type3A = arith.fptosi %mul3A_61 : vector<16xf32> to vector<16xi32>
          %jit3A = arith.constant 0 : i32
          %jit3A_62 = arith.constant 254 : i32
          %max3A = vector.broadcast %jit3A : i32 to vector<16xi32>
          %max3A_63 = arith.maxsi %max3A, %convert_element_type3A : vector<16xi32>
          %min3A = vector.broadcast %jit3A_62 : i32 to vector<16xi32>
          %min3A_64 = arith.minsi %min3A, %max3A_63 : vector<16xi32>
          %convert_element_type3A_65 = arith.sitofp %min3A_64 : vector<16xi32> to vector<16xf32>
          %sub3A = arith.subf %mul3A_61, %convert_element_type3A_65 : vector<16xf32>
          %mul3A_66 = arith.mulf %sub3A, %sub3A : vector<16xf32>
          %mul3A_67 = arith.mulf %mul3A_66, %sub3A : vector<16xf32>
          %sub3A_68 = arith.constant 1.000000e+00 : f32
          %sub3A_69 = vector.broadcast %sub3A_68 : f32 to vector<16xf32>
          %sub3A_70 = arith.subf %sub3A_69, %sub3A : vector<16xf32>
          %mul3A_71 = arith.mulf %sub3A_70, %sub3A_70 : vector<16xf32>
          %mul3A_72 = arith.mulf %mul3A_71, %sub3A_70 : vector<16xf32>
          %mul3A_73 = arith.constant 0.166666672 : f32
          %mul3A_74 = vector.broadcast %mul3A_73 : f32 to vector<16xf32>
          %mul3A_75 = arith.mulf %mul3A_72, %mul3A_74 : vector<16xf32>
          %mul3A_76 = arith.constant 6.000000e+00 : f32
          %mul3A_77 = vector.broadcast %mul3A_76 : f32 to vector<16xf32>
          %mul3A_78 = arith.mulf %mul3A_77, %mul3A_66 : vector<16xf32>
          %sub3A_79 = arith.constant 4.000000e+00 : f32
          %sub3A_80 = vector.broadcast %sub3A_79 : f32 to vector<16xf32>
          %sub3A_81 = arith.subf %sub3A_80, %mul3A_78 : vector<16xf32>
          %mul3A_82 = arith.constant 3.000000e+00 : f32
          %mul3A_83 = vector.broadcast %mul3A_82 : f32 to vector<16xf32>
          %mul3A_84 = arith.mulf %mul3A_83, %mul3A_67 : vector<16xf32>
          %add3A_85 = arith.addf %sub3A_81, %mul3A_84 : vector<16xf32>
          %mul3A_86 = arith.constant 0.166666672 : f32
          %mul3A_87 = vector.broadcast %mul3A_86 : f32 to vector<16xf32>
          %mul3A_88 = arith.mulf %add3A_85, %mul3A_87 : vector<16xf32>
          %mul3A_89 = arith.constant 3.000000e+00 : f32
          %mul3A_90 = vector.broadcast %mul3A_89 : f32 to vector<16xf32>
          %mul3A_91 = arith.mulf %mul3A_90, %sub3A : vector<16xf32>
          %add3A_92 = arith.constant 1.000000e+00 : f32
          %add3A_93 = vector.broadcast %add3A_92 : f32 to vector<16xf32>
          %add3A_94 = arith.addf %add3A_93, %mul3A_91 : vector<16xf32>
          %mul3A_95 = arith.constant 3.000000e+00 : f32
          %mul3A_96 = vector.broadcast %mul3A_95 : f32 to vector<16xf32>
          %mul3A_97 = arith.mulf %mul3A_96, %mul3A_66 : vector<16xf32>
          %add3A_98 = arith.addf %add3A_94, %mul3A_97 : vector<16xf32>
          %mul3A_99 = arith.constant 3.000000e+00 : f32
          %mul3A_100 = vector.broadcast %mul3A_99 : f32 to vector<16xf32>
          %mul3A_101 = arith.mulf %mul3A_100, %mul3A_67 : vector<16xf32>
          %sub3A_102 = arith.subf %add3A_98, %mul3A_101 : vector<16xf32>
          %mul3A_103 = arith.constant 0.166666672 : f32
          %mul3A_104 = vector.broadcast %mul3A_103 : f32 to vector<16xf32>
          %mul3A_105 = arith.mulf %sub3A_102, %mul3A_104 : vector<16xf32>
          %mul3A_106 = arith.constant 0.166666672 : f32
          %mul3A_107 = vector.broadcast %mul3A_106 : f32 to vector<16xf32>
          %mul3A_108 = arith.mulf %mul3A_67, %mul3A_107 : vector<16xf32>
          %gather3A = tpu.vector_load_idx %arg6[%broadcast_in_dim3A, %min3A_64] : memref<16x256xf32, #tpu.memory_space<vmem>>[vector<16xi32>, vector<16xi32>], vector<16xf32>,
          %add3A_109 = arith.constant 1 : i32
          %add3A_110 = vector.broadcast %add3A_109 : i32 to vector<16xi32>
          %add3A_111 = arith.addi %min3A_64, %add3A_110 : vector<16xi32>
          %gather3A_112 = tpu.vector_load_idx %arg6[%broadcast_in_dim3A, %add3A_111] : memref<16x256xf32, #tpu.memory_space<vmem>>[vector<16xi32>, vector<16xi32>], vector<16xf32>,
          %add3A_113 = arith.constant 2 : i32
          %add3A_114 = vector.broadcast %add3A_113 : i32 to vector<16xi32>
          %add3A_115 = arith.addi %min3A_64, %add3A_114 : vector<16xi32>
          %min3A_116 = arith.constant 255 : i32
          %min3A_117 = vector.broadcast %min3A_116 : i32 to vector<16xi32>
          %min3A_118 = arith.minsi %add3A_115, %min3A_117 : vector<16xi32>
          %gather3A_119 = tpu.vector_load_idx %arg6[%broadcast_in_dim3A, %min3A_118] : memref<16x256xf32, #tpu.memory_space<vmem>>[vector<16xi32>, vector<16xi32>], vector<16xf32>,
          %add3A_120 = arith.constant 3 : i32
          %add3A_121 = vector.broadcast %add3A_120 : i32 to vector<16xi32>
          %add3A_122 = arith.addi %min3A_64, %add3A_121 : vector<16xi32>
          %min3A_123 = arith.constant 255 : i32
          %min3A_124 = vector.broadcast %min3A_123 : i32 to vector<16xi32>
          %min3A_125 = arith.minsi %add3A_122, %min3A_124 : vector<16xi32>
          %gather3A_126 = tpu.vector_load_idx %arg6[%broadcast_in_dim3A, %min3A_125] : memref<16x256xf32, #tpu.memory_space<vmem>>[vector<16xi32>, vector<16xi32>], vector<16xf32>,
          %mul3A_127 = arith.mulf %mul3A_75, %gather3A : vector<16xf32>
          %mul3A_128 = arith.mulf %mul3A_88, %gather3A_112 : vector<16xf32>
          %add3A_129 = arith.addf %mul3A_127, %mul3A_128 : vector<16xf32>
          %mul3A_130 = arith.mulf %mul3A_105, %gather3A_119 : vector<16xf32>
          %add3A_131 = arith.addf %add3A_129, %mul3A_130 : vector<16xf32>
          %mul3A_132 = arith.mulf %mul3A_108, %gather3A_126 : vector<16xf32>
          %add3A_133 = arith.addf %add3A_131, %mul3A_132 : vector<16xf32>
          %swap3A = arith.index_cast %add3A_46 : i32 to index
          %swap3A_134 = arith.index_cast %add3A_56 : i32 to index
          %swap3A_135 = tpu.vector_load %arg7[%swap3A, %swap3A_134] {strides = array<i32>} : memref<16x1024xf32, #tpu.memory_space<vmem>>, vector<16xf32>,
          tpu.vector_store %arg7[%swap3A, %swap3A_134], %add3A_133 {strides = array<i32>} : memref<16x1024xf32, #tpu.memory_space<vmem>>, vector<16xf32>,
        }
        %scan3A_51 = arith.constant 64 : i32
      }
      %scan3A_33 = arith.constant 16 : i32
      %dma_start3A_34 = arith.constant 0 : i32
      %dma_start3A_35 = tpu.memref_slice %arg4[%add3A_14, %dma_start3A_34] : memref<2048x1024xf32, #tpu.memory_space<hbm>> -> memref<16x1024xf32, #tpu.memory_space<hbm>>
      %dma_start3A_36 = arith.constant 0 : i32
      %dma_start3A_37 = tpu.memref_slice %arg4[%add3A_14, %dma_start3A_36] : memref<2048x1024xf32, #tpu.memory_space<hbm>> -> memref<16x1024xf32, #tpu.memory_space<hbm>>
      tpu.enqueue_dma source(%arg7 : memref<16x1024xf32, #tpu.memory_space<vmem>>) target(%dma_start3A_37 : memref<16x1024xf32, #tpu.memory_space<hbm>>) target_semaphore(%arg10 : memref<!tpu.dma_semaphore, #tpu.memory_space<semaphore_mem>>)
      %dma_wait3A_38 = arith.constant 0 : i32
      %dma_wait3A_39 = tpu.memref_slice %arg4[%add3A_14, %dma_wait3A_38] : memref<2048x1024xf32, #tpu.memory_space<hbm>> -> memref<16x1024xf32, #tpu.memory_space<hbm>>
      %dma_wait3A_40 = arith.constant 0 : i32
      %dma_wait3A_41 = tpu.memref_slice %arg4[%add3A_14, %dma_wait3A_40] : memref<2048x1024xf32, #tpu.memory_space<hbm>> -> memref<16x1024xf32, #tpu.memory_space<hbm>>
      tpu.wait_dma2 semaphore(%arg10 : memref<!tpu.dma_semaphore, #tpu.memory_space<semaphore_mem>>) src(%arg7 : memref<16x1024xf32, #tpu.memory_space<vmem>>) dst(%dma_wait3A_41 : memref<16x1024xf32, #tpu.memory_space<hbm>>)
    }
    %scan3A_6 = arith.constant 4 : i32
    return
  }
}

</mosaic_0001>

<sc_bundles>
// kernel: _bspline_sc.3.cloned.1.call-start
scs
__scs_entry_jumppad:
0x0: {  	(pc) =	sbr.rel $0x88, $3  }
0x1: {  	(tag) =	ssettag $0x0;
	lr =	simm.s32 $0x1  }
0x2: {  	[smem:$0x3F9F] =	sst lr;
	_ =	strace $0xD0000000  }
0x3: {  	_ = 	snop  }
0x4: {  	_ = 	snop  }
0x5: {  	_ = 	snop  }
0x6: {  	_ = 	snop  }
0x7: {  	_ = 	snop  }
__scs_overlays_trampoline_lowered:
0x8: {  	[smem:$0x3FAE] =	sst s0  }
0x9: {  	[smem:$0x3FAF] =	sst s1  }
0xa: {  	[smem:$0x3FB0] =	sst s2  }
0xb: {  	[smem:$0x3FB1] =	sst s3  }
0xc: {  	[smem:$0x3FB2] =	sst s4  }
0xd: {  	[smem:$0x3FB3] =	sst s5  }
0xe: {  	[smem:$0x3FB4] =	sst s6  }
0xf: {  	[smem:$0x3FB5] =	sst s7  }
0x10: {  	[smem:$0x3FB6] =	sst s8  }
0x11: {  	[smem:$0x3FB7] =	sst s9;
	s0 =	simm.s32 @!p0 $0x0  }
0x12: {  	s1 =	sld [smem:$0x3F9D];
	s0 =	simm.s32 @p0 $0x1  }
0x13: {  	[smem:$0x3FB8] =	sst s0;
	s0 =	simm.s32 @!p1 $0x0  }
0x14: {  	s2 =	sld [smem:$0x3F9C];
	s0 =	simm.s32 @p1 $0x1  }
0x15: {  	[smem:$0x3FB9] =	sst s0;
	s0 =	simm.s32 @!p2 $0x0  }
0x16: {  	s3 =	sld [smem:$0x3FDB];
	s0 =	simm.s32 @p2 $0x1  }
0x17: {  	s4 =	simm.s32 $0x1BF5;
	[smem:$0x3FBB] =	sst s0  }
0x18: {  	s0 =	sld [smem:$0x3F9E];
	_ =	swait.ge [sflag:s4], $0x0  }
0x19: {  	s7 =	sld [smem:$0x3F9F]  }
0x1a: {  	s8 =	sadd.s32 $0xFFFFE003, lr  }
0x1b: {  	s9 =	sadd.s32 $0xFFFFFEF7, lr;
	s5 =	simm.s32 $0xFFFFFFFF;
	p2 =	slt.u32 s8, $0xFFFFF086  }
0x1c: {  	p1 =	slt.u32 s9, $0xF7A;
	s5 =	simm.s32 @!p2 $0x0  }
0x1d: {  	s5 =	simm.s32 @p1 $0x1;
	p0 =	seq.s32 s7, s2  }
0x1e: {  	s7 =	smul.u32 @!p0 $0xF7A, s2;
	p2 =	seq.s32 @!p0 s5, $0x0  }
0x1f: {  	s9 =	smul.u32 $0xF7A, s1;
	s8 =	simm.s32 @!p0 $0x1BF5;
	p2 =	por !p2, p0  }
0x20: {  	[sflag:s8] =	ssyncset.s32 @!p0 $0xFFFFF086;
	s6 =	sadd.s32 @!p0 s3, s7;
	s7 =	simm.s32 @!p0 $0x108  }
0x21: {  	s3 =	sadd.s32 s3, s9;
	s6 =	sadd.s32 @!p0 $0x88, s6;
	s7 =	simm.s32 @p2 $0x1082  }
0x22: {  	[simem:s7], [sflag:s8] =	dma.local @!p0 [hbm:s6], $0xF7A  }
0x23: {  	s9 =	sor.u32 $0xD0000000, s2;
	s6 =	simm.s32 $0x108;
	_ =	swait.ge @!p0 [sflag:s8], $0x0  }
0x24: {  	s3 =	sadd.s32 $0x88, s3;
	s6 =	simm.s32 @!p1 $0x1082;
	[sflag:s4] =	ssyncset.s32 $0xFFFFF086  }
0x25: {  	[simem:s6], [sflag:s4] =	dma.local [hbm:s3], $0xF7A  }
0x26: {  	[smem:$0x3F9F] =	sst s1;
	(tag) =	ssettag s2;
	_ =	strace s9  }
0x27: {  	s1 =	sld [smem:$0x3FAF]  }
0x28: {  	s2 =	sld [smem:$0x3FB0]  }
0x29: {  	s4 =	sld [smem:$0x3FB2]  }
0x2a: {  	p0 =	seq.s32 s5, $0x0;
	s5 =	sld [smem:$0x3FB3]  }
0x2b: {  	s6 =	sld [smem:$0x3FB4]  }
0x2c: {  	s7 =	sld [smem:$0x3FB5]  }
0x2d: {  	s3 =	simm.s32 $0x108;
	s8 =	sld [smem:$0x3FB6]  }
0x2e: {  	s3 =	simm.s32 @!p0 $0x1082;
	s9 =	sld [smem:$0x3FB7]  }
0x2f: {  	lr =	sadd.s32 s0, s3;
	s0 =	sld [smem:$0x3FAE]  }
0x30: {  	s3 =	sld [smem:$0x3FB1]  }
0x31: {  	[smem:$0x3FBA] =	sst s10  }
0x32: {  	s10 =	sld [smem:$0x3FB8];
	_ =	sdelay $0x3  }
0x33: {  	p0 =	seq.s32 s10, $0x1;
	s10 =	sld [smem:$0x3FBA];
	_ =	sdelay $0x3  }
0x34: {  	[smem:$0x3FBA] =	sst s10  }
0x35: {  	s10 =	sld [smem:$0x3FB9];
	_ =	sdelay $0x3  }
0x36: {  	p1 =	seq.s32 s10, $0x1;
	s10 =	sld [smem:$0x3FBA];
	_ =	sdelay $0x3  }
0x37: {  	[smem:$0x3FBA] =	sst s10  }
0x38: {  	s10 =	sld [smem:$0x3FBB]  }
0x39: {  	_ = 	snop;
	(pc) =	sbr.ind lr, $3  }
0x3a: {  	_ = 	snop  }
0x3b: {  	_ = 	snop  }
0x3c: {  	p2 =	seq.s32 s10, $0x1;
	s10 =	sld [smem:$0x3FBA]  }
0x3d: {  	_ =	shalt  }
0x3e: {  	_ =	shalt  }
0x3f: {  	_ =	shalt  }
0x40: {  	_ =	shalt  }
0x41: {  	_ =	shalt  }
0x42: {  	_ =	shalt  }
0x43: {  	_ =	shalt  }
0x44: {  	_ =	shalt  }
0x45: {  	_ =	shalt  }
0x46: {  	_ =	shalt  }
0x47: {  	_ =	shalt  }
0x48: {  	_ =	shalt  }
0x49: {  	_ =	shalt  }
0x4a: {  	_ =	shalt  }
0x4b: {  	_ =	shalt  }
0x4c: {  	_ =	shalt  }
0x4d: {  	_ =	shalt  }
0x4e: {  	_ =	shalt  }
0x4f: {  	_ =	shalt  }
0x50: {  	_ =	shalt  }
0x51: {  	_ =	shalt  }
0x52: {  	_ =	shalt  }
0x53: {  	_ =	shalt  }
0x54: {  	_ =	shalt  }
0x55: {  	_ =	shalt  }
0x56: {  	_ =	shalt  }
0x57: {  	_ =	shalt  }
0x58: {  	_ =	shalt  }
0x59: {  	_ =	shalt  }
0x5a: {  	_ =	shalt  }
0x5b: {  	_ =	shalt  }
0x5c: {  	_ =	shalt  }
0x5d: {  	_ =	shalt  }
0x5e: {  	_ =	shalt  }
0x5f: {  	_ =	shalt  }
0x60: {  	_ =	shalt  }
0x61: {  	_ =	shalt  }
0x62: {  	_ =	shalt  }
0x63: {  	_ =	shalt  }
0x64: {  	_ =	shalt  }
0x65: {  	_ =	shalt  }
0x66: {  	_ =	shalt  }
0x67: {  	_ =	shalt  }
0x68: {  	_ =	shalt  }
0x69: {  	_ =	shalt  }
0x6a: {  	_ =	shalt  }
0x6b: {  	_ =	shalt  }
0x6c: {  	_ =	shalt  }
0x6d: {  	_ =	shalt  }
0x6e: {  	_ =	shalt  }
0x6f: {  	_ =	shalt  }
0x70: {  	_ =	shalt  }
0x71: {  	_ =	shalt  }
0x72: {  	_ =	shalt  }
0x73: {  	_ =	shalt  }
0x74: {  	_ =	shalt  }
0x75: {  	_ =	shalt  }
0x76: {  	_ =	shalt  }
0x77: {  	_ =	shalt  }
0x78: {  	_ =	shalt  }
0x79: {  	_ =	shalt  }
0x7a: {  	_ =	shalt  }
0x7b: {  	_ =	shalt  }
0x7c: {  	_ =	shalt  }
0x7d: {  	_ =	shalt  }
0x7e: {  	_ =	shalt  }
0x7f: {  	_ =	shalt  }
0x80: {  	_ =	shalt  }
0x81: {  	_ =	shalt  }
0x82: {  	_ =	shalt  }
0x83: {  	_ =	shalt  }
0x84: {  	_ =	shalt  }
0x85: {  	_ =	shalt  }
0x86: {  	_ =	shalt  }
0x87: {  	_ =	shalt  }
.Lfunc_end0:
.L_simem_size_0:
called_computation_lowered:
.L_overlay_start_0:
0x88: {  	s2 =	sld [smem:$0x3FD9]  }
0x89: {  	s3 =	sld [smem:$0x3FFE];
	_ =	sdelay $0x1  }
0x8a: {  	s1 =	srdreg.scid  }
0x8b: {  	s0 =	sand.u32 $0x1, s1  }
0x8c: {  	s18 =	sshll.u32 s0, $0xA;
	s2 =	sadd.s32 s3, s2  }
0x8d: {  	s2 =	sadd.s32 s2, s18  }
0x8e: {  	[smem:$0x3FC6] =	sst s2  }
0x8f: {  	_ = 	snop  }
0x90: {  	s2 =	sld [smem:$0x3FC9]  }
0x91: {  	s19 =	sld [smem:$0x3FC8]  }
0x92: {  	s4 =	sld [smem:$0x3FD0];
	(tm) =	ssettm $0x1  }
0x93: {  	s5 =	sld [smem:$0x3FFB];
	_ =	sdelay $0x3  }
0x94: {  	_ =	strace s5  }
0x95: {  	s5 =	sld [smem:$0x3FFC];
	_ =	sdelay $0x3  }
0x96: {  	_ =	strace s5  }
0x97: {  	s5 =	sld [smem:$0x3FFD];
	_ =	sdelay $0x3  }
0x98: {  	_ =	strace s5  }
0x99: {  	_ =	strace $0x8FFFFFFF  }
0x9a: {  	s20 =	sld [smem:$0x3FDB];
	_ =	sdelay $0x1  }
0x9b: {  	s6 =	simm.s32 $_scs_section_size  }
0x9c: {  	s7 =	simm.s32 $_size__tile_overlayer_lowered;
	s8 =	simm.s32 $_tile_overlayer_lowered  }
0x9d: {  	s23 =	simm.s32 $0x1BFF;
	s22 =	sshll.u32 s8, $0x1;
	s5 =	sadd.s32 s6, s20  }
0x9e: {  	s9 =	simm.s32 $0x0;
	s21 =	sshll.u32 s7, $0x1;
	s7 =	sadd.s32 s22, s5  }
0x9f: {  	[timem:s9], [sflag:s23] =	dma.local [hbm:s7], s21  }
0xa0: {  	_ =	swait.ge [sflag:s23], s21  }
0xa1: {  	s6 =	ssub.s32 $0x0, s21;
	[sflag:s23] =	ssyncset.done $0x0  }
0xa2: {  	[sflag:s23] =	ssyncadd.s32 s6;
	_ =	sdelay $0x1  }
0xa3: {  	s24 =	simm.s32 $0x1B8B  }
0xa4: {  	_ =	swait.ge [sflag:s24], $0x1  }
0xa5: {  	[sflag:s24] =	ssyncset.done $0x0  }
0xa6: {  	s25 =	simm.s32 $0x1B8E;
	[sflag:s24] =	ssyncadd.s32 $0xFFFFFFFF  }
0xa7: {  	s26 =	simm.s32 $execute0_lowered;
	[smem:$0x3FD2] =	sst s25  }
0xa8: {  	s6 =	sshll.u32 s26, $0x1;
	_ =	strace $0x80000046;
	[dreg:$0x1] =	wrdreg $0xFFFFFFFF  }
0xa9: {  	s28 =	simm.s32 $_size_execute0_lowered;
	s5 =	sadd.s32 s5, s6;
	[dreg:$0x0] =	wrdreg $0x0  }
0xaa: {  	s6 =	sshll.u32 s28, $0x1;
	[dreg:$0x2] =	wrdreg s5  }
0xab: {  	[dreg:$0x3] =	wrdreg s6  }
0xac: {  	[dreg:$0x4] =	wrdreg $0xC0  }
0xad: {  	_ =	task [dreg:s9], $0x5FFFF  }
0xae: {  	[dreg:$0x1] =	wrdreg $0xFFFFFFFF  }
0xaf: {  	[dreg:$0x0] =	wrdreg $0x60  }
0xb0: {  	[dreg:$0x2] =	wrdreg s2  }
0xb1: {  	[dreg:$0x3] =	wrdreg s19  }
0xb2: {  	[dreg:$0x4] =	wrdreg s4  }
0xb3: {  	[dreg:$0x5] =	wrdreg $0x9  }
0xb4: {  	_ =	task.clear_ibuf [dreg:s9], $0x6FFFF;
	_ =	strace $0x90000046  }
0xb5: {  	s29 =	simm.s32 $0x9;
	_ =	strace $0x80000048  }
0xb6: {  	_ =	swait.ge [sflag:s29], $0x1  }
0xb7: {  	[sflag:s29] =	ssyncadd.s32 $0xFFFFFFFF  }
0xb8: {  	_ =	strace $0x90000048  }
0xb9: {  	_ =	sfence  }
0xba: {  	s30 =	sld [smem:$0x0];
	_ =	sdelay $0x2  }
0xbb: {  	s31 =	sshll.u32 s1, $0xD;
	s1 =	sshrl.u32 s1, $0x2  }
0xbc: {  	s3 =	sand.u32 $0x4000, s31;
	s1 =	sadd.s32 s1, s30  }
0xbd: {  	s0 =	sor.u32 s3, s0;
	s1 =	sshll.u32 s1, $0x11  }
0xbe: {  	s0 =	sor.u32 s1, s0  }
0xbf: {  	s0 =	sadd.s32 $0x8F2B, s0  }
0xc0: {  	[sflag:s0] =	ssyncadd.remote.s32 $0x1  }
0xc1: {  	_ =	sfence.sel $0xFFFF  }
0xc2: {  	[dreg:$0x0] =	wrdreg $0xFFFFFFFF;
	(pc) =	sbr.abs _section_cstart, $3  }
0xc3: {  	[dreg:$0x1] =	wrdreg $0xFFFFFFFF  }
0xc4: {  	_ =	task.clear_ibuf [dreg:s9], $0x2FFFF;
	_ =	strace $0x9FFFFFFF  }
0xc5: {  	(tm) =	ssettm $0x7FFFFFFF  }
tec
execute0_lowered:
.L_overlay_start_1:
0x0: {  	(tag) =	ssettag $0x1  }
0x1: {  	s1 =	rddreg [dreg:$0x0]  }
0x2: {  	s2 =	rddreg [dreg:$0x1];
	s0 =	srdreg.scid  }
0x3: {  	s3 =	rddreg [dreg:$0x2];
	s5 =	simm.s32 $0x0;
	s4 =	stileid.u32  }
0x4: {  	s9 =	simm.s32 $0x1;
	s10 =	simm.s32 $0x2;
	s11 =	simm.s32 $0x5000  }
0x5: {  	s12 =	simm.s32 $0x3;
	s13 =	simm.s32 $0x0;
	s6 =	sand.u32 $0x1, s0  }
0x6: {  	s16 =	simm.s32 $0x0;
	s0 =	rddreg [dreg:$0x3];
	s7 =	ssub.s32 $0x2, s6  }
0x7: {  	[smem:$0x7FF] =	sst s5;
	s31 =	sshll.u32 s4, $0x7;
	s8 =	sshrl.u32 s7, $0x1  }
0x8: {  	s6 =	sshll.u32 s6, $0x6;
	_ =	strace $0x80000047;
	s7 =	ssub.s32 s7, s8  }
0x9: {  	s6 =	sor.u32 s6, s31;
	s8 =	simm.s32 $0x4000;
	s7 =	smax.u32 s7, $0x1  }
.LBB2_1:
0xa: {  	s14 =	simm.s32 $0x0  }
.LBB2_2:
0xb: {  	s15 =	sshll.u32 s14, $0x4  }
0xc: {  	s17 =	sadd.s32 s6, s15  }
0xd: {  	s15 =	sshll.u32 s17, $0x7  }
0xe: {  	s17 =	sshll.u32 s17, $0x5;
	s18 =	sadd.s32 s1, s15  }
0xf: {  	[tilespmem:s16], [sflag:$0x1] =	stream.linear.gather [hbm4b:s18+s16], $0x4000, $0x38;
	[tilespmem:$0x9000] =	vst v63  }
0x10: {  	s17 =	sadd.s32 s2, s17  }
0x11: {  	[tilespmem:s8], [sflag:$0x2] =	stream.linear.gather [hbm4b:s17+s16], $0x1000, $0x38;
	[tilespmem:$0x9000] =	vst v63  }
0x12: {  	_ =	swait.ge [sflag:s9], $0x4000  }
0x13: {  	[sflag:s9] =	ssyncset.done $0x0  }
0x14: {  	[sflag:s9] =	ssyncadd.s32 $0xFFFFC000  }
0x15: {  	_ =	swait.ge [sflag:s10], $0x1000  }
0x16: {  	[sflag:s10] =	ssyncset.done $0x0  }
0x17: {  	s17 =	simm.s32 $0x0;
	[sflag:s10] =	ssyncadd.s32 $0xFFFFF000  }
.LBB2_3:
0x18: {  	s18 =	sshll.u32 s17, $0xA;
	s19 =	sshll.u32 s17, $0x7  }
0x19: {  	s18 =	sand.u32 $0x2000, s18;
	s19 =	sand.u32 $0x380, s19  }
0x1a: {  	s29 =	sand.u32 $0x1C00, s16;
	s20 =	sor.u32 s18, s19  }
0x1b: {  	s30 =	sand.u32 $0x70, s16;
	s18 =	sor.u32 s29, s20  }
0x1c: {  	s18 =	sor.u32 s30, s18  }
0x1d: {  	v0 =	vld [tilespmem:s18+$0x0];
	_ =	sdelay $0x4  }
0x1e: {  	v3 =	vmul.f32 $2.540000000e+02, v0;
	_ =	sdelay $0x1  }
0x1f: {  	v0 =	vtrunc.f32 v3  }
0x20: {  	v0 =	vcvt.f32.s32 v0;
	_ =	sdelay $0x1  }
0x21: {  	v1 =	vmov s17;
	vm0 =	vgt.s32 v0, $0x0  }
0x22: {  	v2 =	vshll.u32 v1, $0x8;
	v4 =	vshll.u32 v1, $0x7;
	v5 =	vnsel vm0, $0x0, v0  }
0x23: {  	v1 =	vand.u32 $0x800, v2;
	v0 =	vand.u32 $0x380, v4;
	v4 =	vmin.u32 v5, $0xFE  }
0x24: {  	v2 =	vor.u32 v0, v1;
	v6 =	vmin.u32 v5, $0xFD;
	v5 =	vmin.u32 v5, $0xFC  }
0x25: {  	s31 =	simm.s32 $0x80;
	v7 =	vadd.s32 $0x1, v4;
	v8 =	vcvt.s32.f32 v4;
	v9 =	vand.u32 $0x7F, v4  }
0x26: {  	s21 =	simm.s32 $0x10;
	s19 =	sand.u32 $0x1C00, s31;
	v4 =	vshll.u32 v4, $0x3;
	v6 =	vadd.s32 $0x2, v6;
	v5 =	vadd.s32 $0x3, v5  }
0x27: {  	s21 =	sand.u32 $0x70, s21;
	s19 =	sor.u32 s19, s20;
	v10 =	vshll.u32 v7, $0x3;
	v11 =	vshll.u32 v6, $0x3;
	v7 =	vand.u32 $0x7F, v7  }
0x28: {  	s19 =	sor.u32 s21, s19;
	v4 =	vand.u32 $0x400, v4;
	v10 =	vand.u32 $0xC00, v10;
	v3 =	vsub.f32 v3, v8  }
0x29: {  	v6 =	vand.u32 $0x7F, v6;
	v4 =	vor.u32 v4, v9;
	v9 =	vld [tilespmem:s19+$0x0];
	v10 =	vadd.s32 v1, v10  }
0x2a: {  	v8 =	vand.u32 $0xC00, v11;
	v7 =	vor.u32 v7, v10;
	v10 =	vmul.f32 v3, v3  }
0x2b: {  	v8 =	vadd.s32 v1, v8;
	v4 =	vor.u32 v2, v4;
	v11 =	vsub.f32 $1.000000000e+00, v3  }
0x2c: {  	v6 =	vor.u32 v6, v8;
	v8 =	vmul.f32 $3.000000000e+00, v3;
	v12 =	vmul.f32 v10, v3  }
0x2d: {  	v7 =	vor.u32 v0, v7;
	v13 =	vmul.f32 v11, v11;
	v14 =	vmul.f32 $-6.000000000e+00, v10  }
0x2e: {  	v8 =	vadd.f32 $1.000000000e+00, v8;
	v10 =	vmul.f32 $3.000000000e+00, v10;
	v3 =	vmul.f32 $2.540000000e+02, v9  }
0x2f: {  	v6 =	vor.u32 v0, v6;
	v15 =	vmul.f32 $3.000000000e+00, v12;
	v9 =	vmul.f32 v13, v11  }
0x30: {  	v11 =	vshll.u32 v5, $0x3;
	v13 =	vadd.f32 $4.000000000e+00, v14;
	v8 =	vadd.f32 v10, v8  }
0x31: {  	v10 =	vld.idx.msk [tilespmem:v4+s8+$0x0], $0xffff;
	v5 =	vand.u32 $0x7F, v5;
	v4 =	vand.u32 $0xC00, v11;
	v11 =	vtrunc.f32 v3  }
0x32: {  	v4 =	vadd.s32 v1, v4;
	v11 =	vcvt.f32.s32 v11;
	v13 =	vadd.f32 v15, v13  }
0x33: {  	v8 =	vsub.f32 v8, v15;
	v5 =	vor.u32 v5, v4;
	v4 =	vmul.f32 $1.666666720e-01, v12  }
0x34: {  	v7 =	vld.idx.msk [tilespmem:v7+s8+$0x0], $0xffff;
	v15 =	vor.u32 v0, v5;
	vm15 =	vgt.s32 v11, $0x0;
	v5 =	vmul.f32 $1.666666720e-01, v9  }
0x35: {  	v9 =	vmul.f32 $1.666666720e-01, v13;
	v13 =	vld.idx.msk [tilespmem:v6+s8+$0x0], $0xffff;
	v8 =	vmul.f32 $1.666666720e-01, v8;
	v16 =	vnsel vm15, $0x0, v11  }
0x36: {  	v11 =	vmin.u32 v16, $0xFE;
	v12 =	vmin.u32 v16, $0xFD;
	v5 =	vmul.f32 v5, v10  }
0x37: {  	v10 =	vcvt.s32.f32 v11;
	v6 =	vand.u32 $0x7F, v11;
	v17 =	vadd.s32 $0x1, v11  }
0x38: {  	v18 =	vshll.u32 v11, $0x3;
	v12 =	vadd.s32 $0x2, v12;
	v11 =	vshll.u32 v17, $0x3  }
0x39: {  	v14 =	vshll.u32 v12, $0x3;
	v19 =	vand.u32 $0xC00, v11;
	v11 =	vmul.f32 v9, v7  }
0x3a: {  	v7 =	vand.u32 $0x7F, v17;
	v8 =	vmul.f32 v8, v13;
	v9 =	vld.idx.msk [tilespmem:v15+s8+$0x0], $0xffff;
	v17 =	vadd.s32 v1, v19  }
0x3b: {  	s22 =	simm.s32 $0x100;
	s21 =	simm.s32 $0x20;
	v15 =	vand.u32 $0x400, v18;
	v13 =	vor.u32 v7, v17;
	v7 =	vmin.u32 v16, $0xFC  }
.LBB2_4:
0x3c: {  	s23 =	sand.u32 $0x1C00, s22  }
0x3d: {  	p0 =	sne.s32 s21, $0x3F0;
	v3 =	vsub.f32 v3, v10;
	v10 =	vand.u32 $0x7F, v12;
	v12 =	vand.u32 $0xC00, v14;
	s24 =	smov.u32 s21;
	s21 =	sadd.s32 $0x10, s21  }
0x3e: {  	v6 =	vor.u32 v15, v6;
	v5 =	vadd.f32 v11, v5;
	s24 =	sand.u32 $0x70, s24;
	s23 =	sor.u32 s23, s20;
	v12 =	vadd.s32 v1, v12  }
0x3f: {  	v11 =	vor.u32 v0, v13;
	v6 =	vor.u32 v2, v6;
	v4 =	vmul.f32 v4, v9;
	s23 =	sor.u32 s24, s23  }
0x40: {  	v13 =	vmul.f32 v3, v3;
	v10 =	vor.u32 v10, v12;
	v5 =	vadd.f32 v5, v8;
	v9 =	vld [tilespmem:s23+$0x0]  }
0x41: {  	v8 =	vsub.f32 $1.000000000e+00, v3;
	v12 =	vmul.f32 $3.000000000e+00, v3;
	v10 =	vor.u32 v0, v10  }
0x42: {  	v7 =	vadd.s32 $0x3, v7;
	v14 =	vmul.f32 v13, v3;
	v3 =	vadd.f32 v5, v4  }
0x43: {  	v4 =	vmul.f32 v8, v8;
	v5 =	vmul.f32 $-6.000000000e+00, v13;
	v12 =	vadd.f32 $1.000000000e+00, v12  }
0x44: {  	v13 =	vmul.f32 $3.000000000e+00, v13;
	v15 =	vmul.f32 $3.000000000e+00, v14;
	[tilespmem:s18+$0x5000] =	vst v3;
	s18 =	smov.u32 s19;
	s19 =	smov.u32 s23  }
0x45: {  	v8 =	vmul.f32 v4, v8;
	v4 =	vshll.u32 v7, $0x3;
	v3 =	vmul.f32 $2.540000000e+02, v9  }
0x46: {  	v5 =	vadd.f32 $4.000000000e+00, v5;
	v4 =	vand.u32 $0xC00, v4;
	v9 =	vadd.f32 v13, v12;
	v6 =	vld.idx.msk [tilespmem:v6+s8+$0x0], $0xffff  }
0x47: {  	v7 =	vand.u32 $0x7F, v7;
	v4 =	vadd.s32 v1, v4;
	v12 =	vtrunc.f32 v3  }
0x48: {  	v5 =	vadd.f32 v15, v5;
	v7 =	vor.u32 v7, v4;
	v12 =	vcvt.f32.s32 v12  }
0x49: {  	v4 =	vmul.f32 $1.666666720e-01, v14;
	v9 =	vsub.f32 v9, v15;
	v7 =	vor.u32 v0, v7;
	v11 =	vld.idx.msk [tilespmem:v11+s8+$0x0], $0xffff  }
0x4a: {  	v8 =	vmul.f32 $1.666666720e-01, v8;
	v13 =	vmul.f32 $1.666666720e-01, v5;
	vm0 =	vgt.s32 v12, $0x0;
	v15 =	vld.idx.msk [tilespmem:v10+s8+$0x0], $0xffff  }
0x4b: {  	v17 =	vmul.f32 $1.666666720e-01, v9;
	v16 =	vnsel vm0, $0x0, v12  }
0x4c: {  	v5 =	vmul.f32 v8, v6;
	v9 =	vmin.u32 v16, $0xFE;
	v12 =	vmin.u32 v16, $0xFD  }
.Ltmp0:
0x4d: {  	v10 =	vcvt.s32.f32 v9;
	v6 =	vand.u32 $0x7F, v9;
	v8 =	vadd.s32 $0x1, v9;
	(pc) =	sbr.rel @p0 .LBB2_4-.Ltmp0, $4  }
0x4e: {  	v18 =	vshll.u32 v9, $0x3;
	v12 =	vadd.s32 $0x2, v12;
	v14 =	vshll.u32 v8, $0x3;
	v9 =	vld.idx.msk [tilespmem:v7+s8+$0x0], $0xffff  }
0x4f: {  	v11 =	vmul.f32 v13, v11;
	v7 =	vand.u32 $0xC00, v14;
	v14 =	vshll.u32 v12, $0x3  }
0x50: {  	v13 =	vand.u32 $0x7F, v8;
	v8 =	vmul.f32 v17, v15;
	v7 =	vadd.s32 v1, v7  }
0x51: {  	s22 =	sadd.s32 $0x80, s22;
	v15 =	vand.u32 $0x400, v18;
	v13 =	vor.u32 v13, v7;
	v7 =	vmin.u32 v16, $0xFC  }
0x52: {  	v3 =	vsub.f32 v3, v10;
	v48 =	vand.u32 $0x7F, v12;
	v49 =	vand.u32 $0xC00, v14  }
0x53: {  	v6 =	vor.u32 v15, v6;
	v5 =	vadd.f32 v11, v5;
	v50 =	vor.u32 v0, v13  }
0x54: {  	v7 =	vadd.s32 $0x3, v7;
	v12 =	vadd.s32 v1, v49;
	v2 =	vor.u32 v2, v6  }
0x55: {  	v4 =	vmul.f32 v4, v9;
	v54 =	vshll.u32 v7, $0x3;
	v7 =	vand.u32 $0x7F, v7  }
0x56: {  	v51 =	vmul.f32 v3, v3;
	v10 =	vor.u32 v48, v12;
	v5 =	vadd.f32 v5, v8  }
0x57: {  	v52 =	vsub.f32 $1.000000000e+00, v3;
	v53 =	vmul.f32 $3.000000000e+00, v3;
	v12 =	vand.u32 $0xC00, v54  }
0x58: {  	v10 =	vor.u32 v0, v10;
	v3 =	vmul.f32 v51, v3;
	v4 =	vadd.f32 v5, v4  }
0x59: {  	v57 =	vadd.s32 v1, v12;
	v55 =	vmul.f32 v52, v52;
	v56 =	vmul.f32 $-6.000000000e+00, v51  }
0x5a: {  	v11 =	vadd.f32 $1.000000000e+00, v53;
	v9 =	vmul.f32 $3.000000000e+00, v51;
	v1 =	vor.u32 v7, v57;
	[tilespmem:s18+$0x5000] =	vst v4  }
0x5b: {  	v60 =	vor.u32 v0, v1;
	v58 =	vmul.f32 $3.000000000e+00, v3;
	v59 =	vadd.f32 $4.000000000e+00, v56;
	v2 =	vld.idx.msk [tilespmem:v2+s8+$0x0], $0xffff  }
0x5c: {  	v61 =	vadd.f32 v9, v11;
	v6 =	vld.idx.msk [tilespmem:v50+s8+$0x0], $0xffff  }
0x5d: {  	v5 =	vmul.f32 v55, v52;
	v7 =	vadd.f32 v58, v59  }
0x5e: {  	v1 =	vsub.f32 v61, v58;
	v62 =	vld.idx.msk [tilespmem:v10+s8+$0x0], $0xffff  }
0x5f: {  	v5 =	vmul.f32 $1.666666720e-01, v5;
	v7 =	vmul.f32 $1.666666720e-01, v7  }
0x60: {  	v1 =	vmul.f32 $1.666666720e-01, v1;
	v0 =	vld.idx.msk [tilespmem:v60+s8+$0x0], $0xffff  }
0x61: {  	v2 =	vmul.f32 v5, v2;
	v63 =	vmul.f32 v7, v6;
	_ =	sdelay $0x1  }
0x62: {  	s17 =	sadd.s32 $0x1, s17;
	v3 =	vmul.f32 $1.666666720e-01, v3;
	v1 =	vmul.f32 v1, v62;
	v2 =	vadd.f32 v63, v2  }
0x63: {  	p0 =	sne.s32 s17, $0x10  }
.Ltmp1:
0x64: {  	v0 =	vmul.f32 v3, v0;
	v1 =	vadd.f32 v2, v1;
	(pc) =	sbr.rel @p0 .LBB2_3-.Ltmp1, $3  }
0x65: {  	_ = 	snop  }
0x66: {  	v0 =	vadd.f32 v1, v0;
	_ =	sdelay $0x1  }
0x67: {  	[tilespmem:s19+$0x5000] =	vst v0  }
0x68: {  	s14 =	sadd.s32 $0x1, s14  }
0x69: {  	p0 =	sne.s32 s14, $0x4  }
.Ltmp2:
0x6a: {  	s15 =	sadd.s32 s3, s15;
	(pc) =	sbr.rel @p0 .LBB2_2-.Ltmp2, $4  }
0x6b: {  	[hbm4b:s15+s5] =	stream.linear.scatter [tilespmem:s11], [sflag:$0x3], $0x4000, $0x38;
	[tilespmem:$0x9000] =	vst v63  }
0x6c: {  	_ =	swait.ge [sflag:s12], $0x4000  }
0x6d: {  	[sflag:s12] =	ssyncset.done $0x0  }
0x6e: {  	[sflag:s12] =	ssyncadd.s32 $0xFFFFC000  }
0x6f: {  	s13 =	sadd.s32 $0x1, s13  }
0x70: {  	p0 =	sne.s32 s13, s7  }
.Ltmp3:
0x71: {  	_ = 	snop;
	(pc) =	sbr.rel @p0 .LBB2_1-.Ltmp3, $1  }
0x72: {  	_ =	sdelay $0x3  }
0x73: {  	_ =	sfence.sel $0x180000  }
0x74: {  	[bflag:$0x0] =	sbarrier.arrive $0xFFFF  }
0x75: {  	p0 =	sne.s32 s4, $0x0;
	_ =	strace $0x90000047  }
0x76: {  	s0 =	sadd.s32 @!p0 $0x100000, s0;
	[bflag:$0x2] =	sbarrier.arrive $0xFFFF  }
0x77: {  	[sflag:s0] =	ssyncadd.tile.s32 @!p0 $0x1;
	_ =	shalt  }
.Lfunc_end2:
_tile_overlayer_lowered:
.L_overlay_start_2:
0x78: {  	(tag) =	ssettag $0x2  }
0x79: {  	s0 =	rddreg [dreg:$0x0];
	s2 =	stileid.u32  }
0x7a: {  	s1 =	rddreg [dreg:$0x1];
	p0 =	sne.s32 s2, $0x0  }
0x7b: {  	s3 =	rddreg [dreg:$0x2];
	[bflag:$0x3] =	sbarrier.arrive $0xFFFF;
	s2 =	simm.s32 @!p0 $0x1C04  }
0x7c: {  	[timem:s3], [sflag:s2] =	dma.local @!p0 [hbm:s0], s1  }
0x7d: {  	s0 =	simm.s32 @!p0 $0x4  }
0x7e: {  	_ =	swait.ge @!p0 [sflag:s0], s1  }
0x7f: {  	s1 =	ssub.s32 @!p0 $0x0, s1;
	[sflag:s0] =	ssyncset.done @!p0 $0x0  }
0x80: {  	[sflag:s0] =	ssyncadd.s32 @!p0 s1  }
0x81: {  	[bflag:$0x3] =	sbarrier.arrive $0xFFFF  }
0x82: {  	_ =	shalt  }

</sc_bundles>
